<compile_context>
chip_gen: v7x
topology: tpu7x:2x2x1
jax: 0.10.2.dev20260603
libtpu: 0.0.44.dev20260713+nightly
codegen_flags: <defaults>
</compile_context>

<pallas_src>
import functools

import jax
import jax.numpy as jnp
import numpy as np
from jax import lax
from jax.experimental import pallas as pl
from jax.experimental.pallas import tpu as pltpu
from jax.experimental.pallas import tpu_sc as plsc

_C = 16
_D = 512
_K = 2
_B = 2048
_DIN = 256
_DOUT = 256
_EPS = 1e-20


def _noise_const():
    def tf2x32(k1, k2, x0, x1):
        ks0 = np.uint32(k1)
        ks1 = np.uint32(k2)
        ks2 = np.uint32(ks0 ^ ks1 ^ np.uint32(0x1BD11BDA))
        x0 = x0.astype(np.uint32) + ks0
        x1 = x1.astype(np.uint32) + ks1

        def rnd(x0, x1, rots):
            for r in rots:
                x0 = x0 + x1
                x1 = (x1 << np.uint32(r)) | (x1 >> np.uint32(32 - r))
                x1 = x1 ^ x0
            return x0, x1

        r0 = (13, 15, 26, 6)
        r1 = (17, 29, 16, 24)
        x0, x1 = rnd(x0, x1, r0)
        x0 = x0 + ks1
        x1 = x1 + ks2 + np.uint32(1)
        x0, x1 = rnd(x0, x1, r1)
        x0 = x0 + ks2
        x1 = x1 + ks0 + np.uint32(2)
        x0, x1 = rnd(x0, x1, r0)
        x0 = x0 + ks0
        x1 = x1 + ks1 + np.uint32(3)
        x0, x1 = rnd(x0, x1, r1)
        x0 = x0 + ks1
        x1 = x1 + ks2 + np.uint32(4)
        x0, x1 = rnd(x0, x1, r0)
        x0 = x0 + ks2
        x1 = x1 + ks0 + np.uint32(5)
        return x0, x1

    old = np.seterr(over="ignore")
    idx = np.arange(_C * _D, dtype=np.uint32)
    b0, b1 = tf2x32(0, 42, np.zeros_like(idx), idx)
    bits = b0 ^ b1
    u = ((bits >> np.uint32(9)) | np.uint32(0x3F800000)).view(np.float32) - 1.0
    np.seterr(**old)
    return u.reshape(1, _C * _D)


_NOISE00 = _noise_const()


_GPS = 4
_W = _GPS * _D


def _tc_body(x_ref, w_ref, b_ref, noise_ref, scale_ref, ind_ref):
    c = pl.program_id(0)
    xq = x_ref[...].astype(jnp.bfloat16)
    wq = w_ref[...].astype(jnp.bfloat16)
    logits = jnp.dot(xq, wq, preferred_element_type=jnp.float32)[0:1]
    scale = scale_ref[0]
    u = scale * (noise_ref[...] - 0.5) + 0.5
    g = -jnp.log(-jnp.log(u + _EPS) + _EPS)
    pert = logits + b_ref[...] + g
    ii = lax.broadcasted_iota(jnp.int32, (1, _W), 1)
    for s in range(_GPS):
        seg = pert[0:1, s * _D:(s + 1) * _D]
        m = jnp.max(seg)
        iis = ii[0:1, s * _D:(s + 1) * _D]
        ind = jnp.min(jnp.where(seg == m, iis, _C * _D))
        ind_ref[0, c * _GPS + s] = ind + c * _GPS * _D


def _tc_indices(x, W_est, b_est, noise, scale):
    return pl.pallas_call(
        _tc_body,
        grid=(_C // _GPS,),
        in_specs=[
            pl.BlockSpec((8, _DIN), lambda c: (0, 0)),
            pl.BlockSpec((_DIN, _W), lambda c: (0, c)),
            pl.BlockSpec((1, _W), lambda c: (0, c)),
            pl.BlockSpec((1, _W), lambda c: (0, c)),
            pl.BlockSpec(memory_space=pltpu.SMEM),
        ],
        out_specs=pl.BlockSpec((1, _C), lambda c: (0, 0), memory_space=pltpu.SMEM),
        out_shape=jax.ShapeDtypeStruct((1, _C), jnp.int32),
    )(x, W_est, b_est, noise, scale)


def _sc_decode(idx, W_dec, b_dec):
    mesh = plsc.VectorSubcoreMesh(
        core_axis_name="c", subcore_axis_name="s", num_cores=1, num_subcores=1
    )

    @functools.partial(
        pl.kernel,
        mesh=mesh,
        out_type=jax.ShapeDtypeStruct((_DOUT,), jnp.float32),
        scratch_types=[
            pltpu.VMEM((_C,), jnp.int32),
            pltpu.VMEM((_C, _DOUT), jnp.float32),
            pltpu.VMEM((_DOUT,), jnp.float32),
            pltpu.SemaphoreType.DMA,
        ],
    )
    def _k(idx_hbm, wdec_hbm, bdec_hbm, out_hbm, idx_v, rows_v, acc_v, sem):
        sid = lax.axis_index("s")

        @pl.when(sid == 0)
        def _():
            pltpu.sync_copy(idx_hbm, idx_v)
            gather = pltpu.async_copy(wdec_hbm.at[idx_v], rows_v, sem)
            pltpu.sync_copy(bdec_hbm, acc_v)
            gather.wait()

            def chunk_body(i, _):
                s = acc_v[pl.ds(i * 16, 16)]
                for r in range(_C):
                    s = s + rows_v[r, pl.ds(i * 16, 16)]
                acc_v[pl.ds(i * 16, 16)] = s
                return 0

            lax.fori_loop(0, _DOUT // 16, chunk_body, 0)
            pltpu.sync_copy(acc_v, out_hbm)

    return _k(idx, W_dec, b_dec)


def kernel(x, knn, W_est, b_est, W_dec, b_dec):
    noise = jnp.asarray(_NOISE00)
    ind = _tc_indices(x, W_est, b_est.reshape(1, _C * _D), noise, knn)
    return _sc_decode(ind.reshape(_C), W_dec, b_dec)

# --- scband reference (transcript-rebuilt; emitter-appended) ---
"""Pipeline reference for scband-model-10746008174637 (READ-ONLY COPY).

The authoritative reference and input builder live on the scoring server;
editing this copy changes nothing except your own understanding.
"""

import jax, jax.numpy as jnp
import numpy as np

C = 16
D = 512
K = 2
B = 2048
DIN = 256
DOUT = 256
EPS = 1e-20


def setup_inputs(seed: int = 0) -> dict:
    key = jax.random.key(seed)
    ks = jax.random.split(key, 6)
    x = jax.random.normal(ks[0], (B, DIN), dtype=jnp.float32)
    knn = jax.random.uniform(ks[1], (K,), dtype=jnp.float32)
    W_est = jax.random.normal(ks[2], (DIN, C * D), dtype=jnp.float32) * 0.02
    b_est = jnp.zeros((C * D,), dtype=jnp.float32)
    W_dec = jax.random.normal(ks[3], (C * D, DOUT), dtype=jnp.float32) * 0.02
    b_dec = jnp.zeros((DOUT,), dtype=jnp.float32)
    return {"x": x, "knn": knn, "W_est": W_est, "b_est": b_est, "W_dec": W_dec, "b_dec": b_dec}


def _gumbel_softmax(logits, temperature, scale, noise):
    # sample_gumbel: scale reshaped to [-1,1,1,1], noise in U(0,1)-0.5
    scale = scale.reshape(-1, 1, 1, 1)
    samples = scale * (noise - 0.5) + 0.5
    g = -jnp.log(-jnp.log(samples + EPS) + EPS)
    y = jax.nn.softmax((logits + g) / temperature, axis=-1)
    y_soft = y
    # straight-through hard one-hot (torch scatter_ of 1 at argmax)
    ind = jnp.argmax(y, axis=-1)
    y_hard = jax.nn.one_hot(ind, y.shape[-1], dtype=y.dtype)
    y_hard = jax.lax.stop_gradient(y_hard - y) + y
    return y_soft, y_hard


def reference(x, knn, W_est, b_est, W_dec, b_dec):
    # utility.Normalize(x, XNorm) with XNorm=(mean=0, std=1)
    x_mean, x_std = 0.0, 1.0
    y_mean, y_std = 0.0, 1.0
    xn = (x - x_mean) / x_std
    # Estimator (linear) -> logits [B, C*D]
    estimate_logits = xn @ W_est + b_est
    # sample(z, knn): reshape to [B, C, D], repeat over knn dim -> [K, B, C, D]
    z = estimate_logits.reshape(-1, C, D)
    z = jnp.broadcast_to(z[None], (K,) + z.shape)
    noise = jax.random.uniform(jax.random.key(42), z.shape, dtype=z.dtype)
    z_soft, z_hard = _gumbel_softmax(z, 1.0, knn, noise)
    estimate = z_hard.reshape(-1, C * D)
    # Decoder (linear) on hard samples
    y = estimate @ W_dec + b_dec
    # utility.Renormalize(y, YNorm)[0]
    y = y * y_std + y_mean
    return y[0]

if __name__ == "__main__":
    import jax
    _d = setup_inputs()
    print(jax.jit(kernel)(*tuple(_d.values())))

</pallas_src>

<mosaic_0001>
#map = affine_map<(d0, d1) -> (0)>
#map1 = affine_map<(d0, d1) -> (0, 0)>
module attributes {stable_mosaic.version = 14 : i64} {
  func.func @_k(%arg0: i32, %arg1: i32, %arg2: memref<16xi32, #tpu.memory_space<hbm>>, %arg3: memref<8192x256xf32, #tpu.memory_space<hbm>>, %arg4: memref<256xf32, #tpu.memory_space<hbm>>, %arg5: memref<256xf32, #tpu.memory_space<hbm>>, %arg6: memref<16xi32, #tpu.memory_space<vmem>>, %arg7: memref<16x256xf32, #tpu.memory_space<vmem>>, %arg8: memref<256xf32, #tpu.memory_space<vmem>>, %arg9: memref<!tpu.dma_semaphore, #tpu.memory_space<semaphore_mem>>) attributes {dimension_semantics = [#tpu.dimension_semantics<core_parallel>, #tpu.dimension_semantics<subcore_parallel>], iteration_bounds = array<i64: 1, 1>, scalar_prefetch = 0 : i64, scratch_operands = 4 : i64, tpu.core_type = #tpu.core_type<sc_vector_subcore>, window_params = [{transform_indices = #map}, {transform_indices = #map1}, {transform_indices = #map}, {transform_indices = #map}]} {
    %eq3A = arith.constant 0 : i32
    %eq3A_0 = arith.cmpi eq, %arg1, %eq3A : i32
    %convert_element_type3A = arith.extui %eq3A_0 : i1 to i32
    %cond3A = arith.constant 0 : i32
    %cond3A_1 = arith.cmpi ne, %convert_element_type3A, %cond3A : i32
    scf.if %cond3A_1 {
      "tpu.region"() ({
        %run_scoped3A = tpu.sem_alloc : memref<!tpu.dma_semaphore, #tpu.memory_space<semaphore_mem>>
        tpu.enqueue_dma source(%arg2 : memref<16xi32, #tpu.memory_space<hbm>>) target(%arg6 : memref<16xi32, #tpu.memory_space<vmem>>) target_semaphore(%run_scoped3A : memref<!tpu.dma_semaphore, #tpu.memory_space<semaphore_mem>>)
        tpu.wait_dma2 semaphore(%run_scoped3A : memref<!tpu.dma_semaphore, #tpu.memory_space<semaphore_mem>>) src(%arg2 : memref<16xi32, #tpu.memory_space<hbm>>) dst(%arg6 : memref<16xi32, #tpu.memory_space<vmem>>)
        tpu.yield
      }) : () -> ()
      %dma_start3A = arith.constant 0 : i32
      %dma_start3A_2 = arith.constant 0 : i32
      %dma_start3A_3 = tpu.memref_slice %arg3[%dma_start3A, %dma_start3A_2] : memref<8192x256xf32, #tpu.memory_space<hbm>> -> memref<8192x256xf32, #tpu.memory_space<hbm>>
      tpu.enqueue_indirect_dma source(%dma_start3A_3 : memref<8192x256xf32, #tpu.memory_space<hbm>>) target(%arg7 : memref<16x256xf32, #tpu.memory_space<vmem>>) offsets(%arg6 : memref<16xi32, #tpu.memory_space<vmem>>) semaphore(%arg9 : memref<!tpu.dma_semaphore, #tpu.memory_space<semaphore_mem>>)
      "tpu.region"() ({
        %run_scoped3A = tpu.sem_alloc : memref<!tpu.dma_semaphore, #tpu.memory_space<semaphore_mem>>
        tpu.enqueue_dma source(%arg4 : memref<256xf32, #tpu.memory_space<hbm>>) target(%arg8 : memref<256xf32, #tpu.memory_space<vmem>>) target_semaphore(%run_scoped3A : memref<!tpu.dma_semaphore, #tpu.memory_space<semaphore_mem>>)
        tpu.wait_dma2 semaphore(%run_scoped3A : memref<!tpu.dma_semaphore, #tpu.memory_space<semaphore_mem>>) src(%arg4 : memref<256xf32, #tpu.memory_space<hbm>>) dst(%arg8 : memref<256xf32, #tpu.memory_space<vmem>>)
        tpu.yield
      }) : () -> ()
      %dma_wait3A = arith.constant 0 : i32
      %dma_wait3A_4 = arith.constant 0 : i32
      %dma_wait3A_5 = tpu.memref_slice %arg3[%dma_wait3A, %dma_wait3A_4] : memref<8192x256xf32, #tpu.memory_space<hbm>> -> memref<8192x256xf32, #tpu.memory_space<hbm>>
      tpu.wait_indirect_dma semaphore(%arg9 : memref<!tpu.dma_semaphore, #tpu.memory_space<semaphore_mem>>) src(%dma_wait3A_5 : memref<8192x256xf32, #tpu.memory_space<hbm>>) dst(%arg7 : memref<16x256xf32, #tpu.memory_space<vmem>>)
      %scan3A = arith.constant 0 : i32
      %scan3A_6 = arith.constant 0 : i32
      %scan3A_7 = arith.constant 16 : i32
      %scan3A_8 = arith.addi %scan3A_6, %scan3A_7 : i32
      %scan3A_9 = arith.constant 1 : i32
      %scan3A_10 = scf.for %scan3A_12 = %scan3A_6 to %scan3A_8 step %scan3A_9 iter_args(%scan3A_13 = %scan3A) -> (i32)  : i32 {
        %mul3A = arith.constant 16 : i32
        %mul3A_14 = arith.muli %scan3A_12, %mul3A : i32
        %get3A = arith.index_cast %mul3A_14 : i32 to index
        %get3A_15 = tpu.vector_load %arg8[%get3A] {strides = array<i32>} : memref<256xf32, #tpu.memory_space<vmem>>, vector<16xf32>,
        %get3A_16 = vector.shape_cast %get3A_15 : vector<16xf32> to vector<16xf32>
        %mul3A_17 = arith.constant 16 : i32
        %mul3A_18 = arith.muli %scan3A_12, %mul3A_17 : i32
        %get3A_19 = arith.constant 0 : i32
        %get3A_20 = arith.index_cast %get3A_19 : i32 to index
        %get3A_21 = arith.index_cast %mul3A_18 : i32 to index
        %get3A_22 = tpu.vector_load %arg7[%get3A_20, %get3A_21] {strides = array<i32>} : memref<16x256xf32, #tpu.memory_space<vmem>>, vector<1x16xf32>,
        %get3A_23 = vector.shape_cast %get3A_22 : vector<1x16xf32> to vector<16xf32>
        %add3A = arith.addf %get3A_16, %get3A_23 : vector<16xf32>
        %mul3A_24 = arith.constant 16 : i32
        %mul3A_25 = arith.muli %scan3A_12, %mul3A_24 : i32
        %get3A_26 = arith.constant 1 : i32
        %get3A_27 = arith.index_cast %get3A_26 : i32 to index
        %get3A_28 = arith.index_cast %mul3A_25 : i32 to index
        %get3A_29 = tpu.vector_load %arg7[%get3A_27, %get3A_28] {strides = array<i32>} : memref<16x256xf32, #tpu.memory_space<vmem>>, vector<1x16xf32>,
        %get3A_30 = vector.shape_cast %get3A_29 : vector<1x16xf32> to vector<16xf32>
        %add3A_31 = arith.addf %add3A, %get3A_30 : vector<16xf32>
        %mul3A_32 = arith.constant 16 : i32
        %mul3A_33 = arith.muli %scan3A_12, %mul3A_32 : i32
        %get3A_34 = arith.constant 2 : i32
        %get3A_35 = arith.index_cast %get3A_34 : i32 to index
        %get3A_36 = arith.index_cast %mul3A_33 : i32 to index
        %get3A_37 = tpu.vector_load %arg7[%get3A_35, %get3A_36] {strides = array<i32>} : memref<16x256xf32, #tpu.memory_space<vmem>>, vector<1x16xf32>,
        %get3A_38 = vector.shape_cast %get3A_37 : vector<1x16xf32> to vector<16xf32>
        %add3A_39 = arith.addf %add3A_31, %get3A_38 : vector<16xf32>
        %mul3A_40 = arith.constant 16 : i32
        %mul3A_41 = arith.muli %scan3A_12, %mul3A_40 : i32
        %get3A_42 = arith.constant 3 : i32
        %get3A_43 = arith.index_cast %get3A_42 : i32 to index
        %get3A_44 = arith.index_cast %mul3A_41 : i32 to index
        %get3A_45 = tpu.vector_load %arg7[%get3A_43, %get3A_44] {strides = array<i32>} : memref<16x256xf32, #tpu.memory_space<vmem>>, vector<1x16xf32>,
        %get3A_46 = vector.shape_cast %get3A_45 : vector<1x16xf32> to vector<16xf32>
        %add3A_47 = arith.addf %add3A_39, %get3A_46 : vector<16xf32>
        %mul3A_48 = arith.constant 16 : i32
        %mul3A_49 = arith.muli %scan3A_12, %mul3A_48 : i32
        %get3A_50 = arith.constant 4 : i32
        %get3A_51 = arith.index_cast %get3A_50 : i32 to index
        %get3A_52 = arith.index_cast %mul3A_49 : i32 to index
        %get3A_53 = tpu.vector_load %arg7[%get3A_51, %get3A_52] {strides = array<i32>} : memref<16x256xf32, #tpu.memory_space<vmem>>, vector<1x16xf32>,
        %get3A_54 = vector.shape_cast %get3A_53 : vector<1x16xf32> to vector<16xf32>
        %add3A_55 = arith.addf %add3A_47, %get3A_54 : vector<16xf32>
        %mul3A_56 = arith.constant 16 : i32
        %mul3A_57 = arith.muli %scan3A_12, %mul3A_56 : i32
        %get3A_58 = arith.constant 5 : i32
        %get3A_59 = arith.index_cast %get3A_58 : i32 to index
        %get3A_60 = arith.index_cast %mul3A_57 : i32 to index
        %get3A_61 = tpu.vector_load %arg7[%get3A_59, %get3A_60] {strides = array<i32>} : memref<16x256xf32, #tpu.memory_space<vmem>>, vector<1x16xf32>,
        %get3A_62 = vector.shape_cast %get3A_61 : vector<1x16xf32> to vector<16xf32>
        %add3A_63 = arith.addf %add3A_55, %get3A_62 : vector<16xf32>
        %mul3A_64 = arith.constant 16 : i32
        %mul3A_65 = arith.muli %scan3A_12, %mul3A_64 : i32
        %get3A_66 = arith.constant 6 : i32
        %get3A_67 = arith.index_cast %get3A_66 : i32 to index
        %get3A_68 = arith.index_cast %mul3A_65 : i32 to index
        %get3A_69 = tpu.vector_load %arg7[%get3A_67, %get3A_68] {strides = array<i32>} : memref<16x256xf32, #tpu.memory_space<vmem>>, vector<1x16xf32>,
        %get3A_70 = vector.shape_cast %get3A_69 : vector<1x16xf32> to vector<16xf32>
        %add3A_71 = arith.addf %add3A_63, %get3A_70 : vector<16xf32>
        %mul3A_72 = arith.constant 16 : i32
        %mul3A_73 = arith.muli %scan3A_12, %mul3A_72 : i32
        %get3A_74 = arith.constant 7 : i32
        %get3A_75 = arith.index_cast %get3A_74 : i32 to index
        %get3A_76 = arith.index_cast %mul3A_73 : i32 to index
        %get3A_77 = tpu.vector_load %arg7[%get3A_75, %get3A_76] {strides = array<i32>} : memref<16x256xf32, #tpu.memory_space<vmem>>, vector<1x16xf32>,
        %get3A_78 = vector.shape_cast %get3A_77 : vector<1x16xf32> to vector<16xf32>
        %add3A_79 = arith.addf %add3A_71, %get3A_78 : vector<16xf32>
        %mul3A_80 = arith.constant 16 : i32
        %mul3A_81 = arith.muli %scan3A_12, %mul3A_80 : i32
        %get3A_82 = arith.constant 8 : i32
        %get3A_83 = arith.index_cast %get3A_82 : i32 to index
        %get3A_84 = arith.index_cast %mul3A_81 : i32 to index
        %get3A_85 = tpu.vector_load %arg7[%get3A_83, %get3A_84] {strides = array<i32>} : memref<16x256xf32, #tpu.memory_space<vmem>>, vector<1x16xf32>,
        %get3A_86 = vector.shape_cast %get3A_85 : vector<1x16xf32> to vector<16xf32>
        %add3A_87 = arith.addf %add3A_79, %get3A_86 : vector<16xf32>
        %mul3A_88 = arith.constant 16 : i32
        %mul3A_89 = arith.muli %scan3A_12, %mul3A_88 : i32
        %get3A_90 = arith.constant 9 : i32
        %get3A_91 = arith.index_cast %get3A_90 : i32 to index
        %get3A_92 = arith.index_cast %mul3A_89 : i32 to index
        %get3A_93 = tpu.vector_load %arg7[%get3A_91, %get3A_92] {strides = array<i32>} : memref<16x256xf32, #tpu.memory_space<vmem>>, vector<1x16xf32>,
        %get3A_94 = vector.shape_cast %get3A_93 : vector<1x16xf32> to vector<16xf32>
        %add3A_95 = arith.addf %add3A_87, %get3A_94 : vector<16xf32>
        %mul3A_96 = arith.constant 16 : i32
        %mul3A_97 = arith.muli %scan3A_12, %mul3A_96 : i32
        %get3A_98 = arith.constant 10 : i32
        %get3A_99 = arith.index_cast %get3A_98 : i32 to index
        %get3A_100 = arith.index_cast %mul3A_97 : i32 to index
        %get3A_101 = tpu.vector_load %arg7[%get3A_99, %get3A_100] {strides = array<i32>} : memref<16x256xf32, #tpu.memory_space<vmem>>, vector<1x16xf32>,
        %get3A_102 = vector.shape_cast %get3A_101 : vector<1x16xf32> to vector<16xf32>
        %add3A_103 = arith.addf %add3A_95, %get3A_102 : vector<16xf32>
        %mul3A_104 = arith.constant 16 : i32
        %mul3A_105 = arith.muli %scan3A_12, %mul3A_104 : i32
        %get3A_106 = arith.constant 11 : i32
        %get3A_107 = arith.index_cast %get3A_106 : i32 to index
        %get3A_108 = arith.index_cast %mul3A_105 : i32 to index
        %get3A_109 = tpu.vector_load %arg7[%get3A_107, %get3A_108] {strides = array<i32>} : memref<16x256xf32, #tpu.memory_space<vmem>>, vector<1x16xf32>,
        %get3A_110 = vector.shape_cast %get3A_109 : vector<1x16xf32> to vector<16xf32>
        %add3A_111 = arith.addf %add3A_103, %get3A_110 : vector<16xf32>
        %mul3A_112 = arith.constant 16 : i32
        %mul3A_113 = arith.muli %scan3A_12, %mul3A_112 : i32
        %get3A_114 = arith.constant 12 : i32
        %get3A_115 = arith.index_cast %get3A_114 : i32 to index
        %get3A_116 = arith.index_cast %mul3A_113 : i32 to index
        %get3A_117 = tpu.vector_load %arg7[%get3A_115, %get3A_116] {strides = array<i32>} : memref<16x256xf32, #tpu.memory_space<vmem>>, vector<1x16xf32>,
        %get3A_118 = vector.shape_cast %get3A_117 : vector<1x16xf32> to vector<16xf32>
        %add3A_119 = arith.addf %add3A_111, %get3A_118 : vector<16xf32>
        %mul3A_120 = arith.constant 16 : i32
        %mul3A_121 = arith.muli %scan3A_12, %mul3A_120 : i32
        %get3A_122 = arith.constant 13 : i32
        %get3A_123 = arith.index_cast %get3A_122 : i32 to index
        %get3A_124 = arith.index_cast %mul3A_121 : i32 to index
        %get3A_125 = tpu.vector_load %arg7[%get3A_123, %get3A_124] {strides = array<i32>} : memref<16x256xf32, #tpu.memory_space<vmem>>, vector<1x16xf32>,
        %get3A_126 = vector.shape_cast %get3A_125 : vector<1x16xf32> to vector<16xf32>
        %add3A_127 = arith.addf %add3A_119, %get3A_126 : vector<16xf32>
        %mul3A_128 = arith.constant 16 : i32
        %mul3A_129 = arith.muli %scan3A_12, %mul3A_128 : i32
        %get3A_130 = arith.constant 14 : i32
        %get3A_131 = arith.index_cast %get3A_130 : i32 to index
        %get3A_132 = arith.index_cast %mul3A_129 : i32 to index
        %get3A_133 = tpu.vector_load %arg7[%get3A_131, %get3A_132] {strides = array<i32>} : memref<16x256xf32, #tpu.memory_space<vmem>>, vector<1x16xf32>,
        %get3A_134 = vector.shape_cast %get3A_133 : vector<1x16xf32> to vector<16xf32>
        %add3A_135 = arith.addf %add3A_127, %get3A_134 : vector<16xf32>
        %mul3A_136 = arith.constant 16 : i32
        %mul3A_137 = arith.muli %scan3A_12, %mul3A_136 : i32
        %get3A_138 = arith.constant 15 : i32
        %get3A_139 = arith.index_cast %get3A_138 : i32 to index
        %get3A_140 = arith.index_cast %mul3A_137 : i32 to index
        %get3A_141 = tpu.vector_load %arg7[%get3A_139, %get3A_140] {strides = array<i32>} : memref<16x256xf32, #tpu.memory_space<vmem>>, vector<1x16xf32>,
        %get3A_142 = vector.shape_cast %get3A_141 : vector<1x16xf32> to vector<16xf32>
        %add3A_143 = arith.addf %add3A_135, %get3A_142 : vector<16xf32>
        %mul3A_144 = arith.constant 16 : i32
        %mul3A_145 = arith.muli %scan3A_12, %mul3A_144 : i32
        %swap3A = arith.index_cast %mul3A_145 : i32 to index
        %swap3A_146 = tpu.vector_load %arg8[%swap3A] {strides = array<i32>} : memref<256xf32, #tpu.memory_space<vmem>>, vector<16xf32>,
        %swap3A_147 = vector.shape_cast %swap3A_146 : vector<16xf32> to vector<16xf32>
        %swap3A_148 = vector.shape_cast %add3A_143 : vector<16xf32> to vector<16xf32>
        tpu.vector_store %arg8[%swap3A], %swap3A_148 {strides = array<i32>} : memref<256xf32, #tpu.memory_space<vmem>>, vector<16xf32>,
        %scan3A_149 = arith.constant 0 : i32
        scf.yield %scan3A_149 : i32
      }
      %scan3A_11 = arith.constant 16 : i32
      "tpu.region"() ({
        %run_scoped3A = tpu.sem_alloc : memref<!tpu.dma_semaphore, #tpu.memory_space<semaphore_mem>>
        tpu.enqueue_dma source(%arg8 : memref<256xf32, #tpu.memory_space<vmem>>) target(%arg5 : memref<256xf32, #tpu.memory_space<hbm>>) target_semaphore(%run_scoped3A : memref<!tpu.dma_semaphore, #tpu.memory_space<semaphore_mem>>)
        tpu.wait_dma2 semaphore(%run_scoped3A : memref<!tpu.dma_semaphore, #tpu.memory_space<semaphore_mem>>) src(%arg8 : memref<256xf32, #tpu.memory_space<vmem>>) dst(%arg5 : memref<256xf32, #tpu.memory_space<hbm>>)
        tpu.yield
      }) : () -> ()
    } else {
    }
    return
  }
}

module attributes {stable_mosaic.version = 14 : i64} {
  func.func @_tc_body(%arg0: i32, %arg1: memref<8x256xf32, #tpu.memory_space<vmem>>, %arg2: memref<256x2048xf32, #tpu.memory_space<vmem>>, %arg3: memref<1x2048xf32, #tpu.memory_space<vmem>>, %arg4: memref<1x2048xf32, #tpu.memory_space<vmem>>, %arg5: memref<2xf32, #tpu.memory_space<smem>>, %arg6: memref<1x16xi32, #tpu.memory_space<smem>>) attributes {dimension_semantics = [#tpu.dimension_semantics<arbitrary>], iteration_bounds = array<i64: 4>, scalar_prefetch = 0 : i64, scratch_operands = 0 : i64, tpu.core_type = #tpu.core_type<tc>, window_params = [{transform_indices = @transform_0, window_bounds = array<i64: 8, 256>}, {transform_indices = @transform_1, window_bounds = array<i64: 256, 2048>}, {transform_indices = @transform_2, window_bounds = array<i64: 1, 2048>}, {transform_indices = @transform_3, window_bounds = array<i64: 1, 2048>}, {transform_indices = @transform_4, window_bounds = array<i64: 2>}, {transform_indices = @transform_5, window_bounds = array<i64: 1, 16>}]} {
    %get3A = arith.constant 0 : index
    %get3A_0 = arith.constant 0 : index
    %get3A_1 = vector.load %arg1[%get3A, %get3A_0] : memref<8x256xf32, #tpu.memory_space<vmem>>, vector<8x256xf32>
    %convert_element_type3A = arith.truncf %get3A_1 : vector<8x256xf32> to vector<8x256xbf16>
    %get3A_2 = arith.constant 0 : index
    %get3A_3 = arith.constant 0 : index
    %get3A_4 = vector.load %arg2[%get3A_2, %get3A_3] : memref<256x2048xf32, #tpu.memory_space<vmem>>, vector<256x2048xf32>
    %convert_element_type3A_5 = arith.truncf %get3A_4 : vector<256x2048xf32> to vector<256x2048xbf16>
    %dot_general3A = arith.constant dense<0.000000e+00> : vector<8x2048xf32>
    %dot_general3A_6 = tpu.matmul %convert_element_type3A, %convert_element_type3A_5, %dot_general3A {dimension_numbers = #tpu.dot_dimension_numbers<[1], [0], [0], [1], [0, 0, 1, 1], [], []>, transpose_lhs_hint = false} : vector<8x256xbf16>, vector<256x2048xbf16>, vector<8x2048xf32> -> vector<8x2048xf32>
    %slice3A = vector.extract_strided_slice %dot_general3A_6 {offsets = [0, 0], sizes = [1, 2048], strides = [1, 1]} : vector<8x2048xf32> to vector<1x2048xf32>
    %get3A_7 = arith.constant 0 : index
    %get3A_8 = memref.load %arg5[%get3A_7] : memref<2xf32, #tpu.memory_space<smem>>
    %get3A_9 = arith.constant 0 : index
    %get3A_10 = arith.constant 0 : index
    %get3A_11 = vector.load %arg4[%get3A_9, %get3A_10] : memref<1x2048xf32, #tpu.memory_space<vmem>>, vector<1x2048xf32>
    %sub3A = arith.constant 5.000000e-01 : f32
    %sub3A_12 = vector.broadcast %sub3A : f32 to vector<1x2048xf32>
    %sub3A_13 = arith.subf %get3A_11, %sub3A_12 : vector<1x2048xf32>
    %mul3A = vector.broadcast %get3A_8 : f32 to vector<1x2048xf32>
    %mul3A_14 = arith.mulf %mul3A, %sub3A_13 : vector<1x2048xf32>
    %add3A = arith.constant 5.000000e-01 : f32
    %add3A_15 = vector.broadcast %add3A : f32 to vector<1x2048xf32>
    %add3A_16 = arith.addf %mul3A_14, %add3A_15 : vector<1x2048xf32>
    %add3A_17 = arith.constant 9.99999968E-21 : f32
    %add3A_18 = vector.broadcast %add3A_17 : f32 to vector<1x2048xf32>
    %add3A_19 = arith.addf %add3A_16, %add3A_18 : vector<1x2048xf32>
    %log3A = math.log %add3A_19 : vector<1x2048xf32>
    %neg3A = arith.constant 0.000000e+00 : f32
    %neg3A_20 = vector.broadcast %neg3A : f32 to vector<1x2048xf32>
    %neg3A_21 = arith.subf %neg3A_20, %log3A : vector<1x2048xf32>
    %add3A_22 = arith.constant 9.99999968E-21 : f32
    %add3A_23 = vector.broadcast %add3A_22 : f32 to vector<1x2048xf32>
    %add3A_24 = arith.addf %neg3A_21, %add3A_23 : vector<1x2048xf32>
    %log3A_25 = math.log %add3A_24 : vector<1x2048xf32>
    %neg3A_26 = arith.constant 0.000000e+00 : f32
    %neg3A_27 = vector.broadcast %neg3A_26 : f32 to vector<1x2048xf32>
    %neg3A_28 = arith.subf %neg3A_27, %log3A_25 : vector<1x2048xf32>
    %get3A_29 = arith.constant 0 : index
    %get3A_30 = arith.constant 0 : index
    %get3A_31 = vector.load %arg3[%get3A_29, %get3A_30] : memref<1x2048xf32, #tpu.memory_space<vmem>>, vector<1x2048xf32>
    %add3A_32 = arith.addf %slice3A, %get3A_31 : vector<1x2048xf32>
    %add3A_33 = arith.addf %add3A_32, %neg3A_28 : vector<1x2048xf32>
    %iota3A = tpu.iota {dimensions = array<i32: 1>} : vector<1x2048xi32>
    %slice3A_34 = vector.extract_strided_slice %add3A_33 {offsets = [0, 0], sizes = [1, 512], strides = [1, 1]} : vector<1x2048xf32> to vector<1x512xf32>
    %reduce_max3A = vector.shape_cast %slice3A_34 : vector<1x512xf32> to vector<1x1x512xf32>
    %reduce_max3A_35 = arith.constant dense<0xFF800000> : vector<1xf32>
    %reduce_max3A_36 = vector.multi_reduction <maximumf>, %reduce_max3A, %reduce_max3A_35 [1, 2] : vector<1x1x512xf32> to vector<1xf32>
    %reduce_max3A_37 = vector.shape_cast %reduce_max3A_36 : vector<1xf32> to vector<1x1x1xf32>
    %reduce_max3A_38 = vector.extract %reduce_max3A_37[0, 0, 0] : f32 from vector<1x1x1xf32>
    %slice3A_39 = vector.extract_strided_slice %iota3A {offsets = [0, 0], sizes = [1, 512], strides = [1, 1]} : vector<1x2048xi32> to vector<1x512xi32>
    %eq3A = vector.broadcast %reduce_max3A_38 : f32 to vector<1x512xf32>
    %eq3A_40 = arith.cmpf oeq, %slice3A_34, %eq3A : vector<1x512xf32>
    %jit3A = arith.constant 8192 : i32
    %broadcast_in_dim3A = vector.broadcast %jit3A : i32 to vector<1x512xi32>
    %select_n3A = arith.select %eq3A_40, %slice3A_39, %broadcast_in_dim3A : vector<1x512xi1>, vector<1x512xi32>
    %reduce_min3A = vector.shape_cast %select_n3A : vector<1x512xi32> to vector<1x1x512xi32>
    %reduce_min3A_41 = arith.constant dense<2147483647> : vector<1xi32>
    %reduce_min3A_42 = vector.multi_reduction <minsi>, %reduce_min3A, %reduce_min3A_41 [1, 2] : vector<1x1x512xi32> to vector<1xi32>
    %reduce_min3A_43 = vector.shape_cast %reduce_min3A_42 : vector<1xi32> to vector<1x1x1xi32>
    %reduce_min3A_44 = vector.extract %reduce_min3A_43[0, 0, 0] : i32 from vector<1x1x1xi32>
    %mul3A_45 = arith.constant 4 : i32
    %mul3A_46 = arith.muli %arg0, %mul3A_45 : i32
    %mul3A_47 = arith.constant 512 : i32
    %mul3A_48 = arith.muli %mul3A_46, %mul3A_47 : i32
    %add3A_49 = arith.addi %reduce_min3A_44, %mul3A_48 : i32
    %mul3A_50 = arith.constant 4 : i32
    %mul3A_51 = arith.muli %arg0, %mul3A_50 : i32
    %add3A_52 = arith.constant 0 : i32
    %add3A_53 = arith.addi %mul3A_51, %add3A_52 : i32
    %swap3A = arith.constant 0 : index
    %swap3A_54 = arith.index_cast %add3A_53 : i32 to index
    %swap3A_55 = memref.load %arg6[%swap3A, %swap3A_54] : memref<1x16xi32, #tpu.memory_space<smem>>
    memref.store %add3A_49, %arg6[%swap3A, %swap3A_54] : memref<1x16xi32, #tpu.memory_space<smem>>
    %slice3A_56 = vector.extract_strided_slice %add3A_33 {offsets = [0, 512], sizes = [1, 512], strides = [1, 1]} : vector<1x2048xf32> to vector<1x512xf32>
    %reduce_max3A_57 = vector.shape_cast %slice3A_56 : vector<1x512xf32> to vector<1x1x512xf32>
    %reduce_max3A_58 = arith.constant dense<0xFF800000> : vector<1xf32>
    %reduce_max3A_59 = vector.multi_reduction <maximumf>, %reduce_max3A_57, %reduce_max3A_58 [1, 2] : vector<1x1x512xf32> to vector<1xf32>
    %reduce_max3A_60 = vector.shape_cast %reduce_max3A_59 : vector<1xf32> to vector<1x1x1xf32>
    %reduce_max3A_61 = vector.extract %reduce_max3A_60[0, 0, 0] : f32 from vector<1x1x1xf32>
    %slice3A_62 = vector.extract_strided_slice %iota3A {offsets = [0, 512], sizes = [1, 512], strides = [1, 1]} : vector<1x2048xi32> to vector<1x512xi32>
    %eq3A_63 = vector.broadcast %reduce_max3A_61 : f32 to vector<1x512xf32>
    %eq3A_64 = arith.cmpf oeq, %slice3A_56, %eq3A_63 : vector<1x512xf32>
    %jit3A_65 = arith.constant 8192 : i32
    %broadcast_in_dim3A_66 = vector.broadcast %jit3A_65 : i32 to vector<1x512xi32>
    %select_n3A_67 = arith.select %eq3A_64, %slice3A_62, %broadcast_in_dim3A_66 : vector<1x512xi1>, vector<1x512xi32>
    %reduce_min3A_68 = vector.shape_cast %select_n3A_67 : vector<1x512xi32> to vector<1x1x512xi32>
    %reduce_min3A_69 = arith.constant dense<2147483647> : vector<1xi32>
    %reduce_min3A_70 = vector.multi_reduction <minsi>, %reduce_min3A_68, %reduce_min3A_69 [1, 2] : vector<1x1x512xi32> to vector<1xi32>
    %reduce_min3A_71 = vector.shape_cast %reduce_min3A_70 : vector<1xi32> to vector<1x1x1xi32>
    %reduce_min3A_72 = vector.extract %reduce_min3A_71[0, 0, 0] : i32 from vector<1x1x1xi32>
    %mul3A_73 = arith.constant 4 : i32
    %mul3A_74 = arith.muli %arg0, %mul3A_73 : i32
    %mul3A_75 = arith.constant 512 : i32
    %mul3A_76 = arith.muli %mul3A_74, %mul3A_75 : i32
    %add3A_77 = arith.addi %reduce_min3A_72, %mul3A_76 : i32
    %mul3A_78 = arith.constant 4 : i32
    %mul3A_79 = arith.muli %arg0, %mul3A_78 : i32
    %add3A_80 = arith.constant 1 : i32
    %add3A_81 = arith.addi %mul3A_79, %add3A_80 : i32
    %swap3A_82 = arith.constant 0 : index
    %swap3A_83 = arith.index_cast %add3A_81 : i32 to index
    %swap3A_84 = memref.load %arg6[%swap3A_82, %swap3A_83] : memref<1x16xi32, #tpu.memory_space<smem>>
    memref.store %add3A_77, %arg6[%swap3A_82, %swap3A_83] : memref<1x16xi32, #tpu.memory_space<smem>>
    %slice3A_85 = vector.extract_strided_slice %add3A_33 {offsets = [0, 1024], sizes = [1, 512], strides = [1, 1]} : vector<1x2048xf32> to vector<1x512xf32>
    %reduce_max3A_86 = vector.shape_cast %slice3A_85 : vector<1x512xf32> to vector<1x1x512xf32>
    %reduce_max3A_87 = arith.constant dense<0xFF800000> : vector<1xf32>
    %reduce_max3A_88 = vector.multi_reduction <maximumf>, %reduce_max3A_86, %reduce_max3A_87 [1, 2] : vector<1x1x512xf32> to vector<1xf32>
    %reduce_max3A_89 = vector.shape_cast %reduce_max3A_88 : vector<1xf32> to vector<1x1x1xf32>
    %reduce_max3A_90 = vector.extract %reduce_max3A_89[0, 0, 0] : f32 from vector<1x1x1xf32>
    %slice3A_91 = vector.extract_strided_slice %iota3A {offsets = [0, 1024], sizes = [1, 512], strides = [1, 1]} : vector<1x2048xi32> to vector<1x512xi32>
    %eq3A_92 = vector.broadcast %reduce_max3A_90 : f32 to vector<1x512xf32>
    %eq3A_93 = arith.cmpf oeq, %slice3A_85, %eq3A_92 : vector<1x512xf32>
    %jit3A_94 = arith.constant 8192 : i32
    %broadcast_in_dim3A_95 = vector.broadcast %jit3A_94 : i32 to vector<1x512xi32>
    %select_n3A_96 = arith.select %eq3A_93, %slice3A_91, %broadcast_in_dim3A_95 : vector<1x512xi1>, vector<1x512xi32>
    %reduce_min3A_97 = vector.shape_cast %select_n3A_96 : vector<1x512xi32> to vector<1x1x512xi32>
    %reduce_min3A_98 = arith.constant dense<2147483647> : vector<1xi32>
    %reduce_min3A_99 = vector.multi_reduction <minsi>, %reduce_min3A_97, %reduce_min3A_98 [1, 2] : vector<1x1x512xi32> to vector<1xi32>
    %reduce_min3A_100 = vector.shape_cast %reduce_min3A_99 : vector<1xi32> to vector<1x1x1xi32>
    %reduce_min3A_101 = vector.extract %reduce_min3A_100[0, 0, 0] : i32 from vector<1x1x1xi32>
    %mul3A_102 = arith.constant 4 : i32
    %mul3A_103 = arith.muli %arg0, %mul3A_102 : i32
    %mul3A_104 = arith.constant 512 : i32
    %mul3A_105 = arith.muli %mul3A_103, %mul3A_104 : i32
    %add3A_106 = arith.addi %reduce_min3A_101, %mul3A_105 : i32
    %mul3A_107 = arith.constant 4 : i32
    %mul3A_108 = arith.muli %arg0, %mul3A_107 : i32
    %add3A_109 = arith.constant 2 : i32
    %add3A_110 = arith.addi %mul3A_108, %add3A_109 : i32
    %swap3A_111 = arith.constant 0 : index
    %swap3A_112 = arith.index_cast %add3A_110 : i32 to index
    %swap3A_113 = memref.load %arg6[%swap3A_111, %swap3A_112] : memref<1x16xi32, #tpu.memory_space<smem>>
    memref.store %add3A_106, %arg6[%swap3A_111, %swap3A_112] : memref<1x16xi32, #tpu.memory_space<smem>>
    %slice3A_114 = vector.extract_strided_slice %add3A_33 {offsets = [0, 1536], sizes = [1, 512], strides = [1, 1]} : vector<1x2048xf32> to vector<1x512xf32>
    %reduce_max3A_115 = vector.shape_cast %slice3A_114 : vector<1x512xf32> to vector<1x1x512xf32>
    %reduce_max3A_116 = arith.constant dense<0xFF800000> : vector<1xf32>
    %reduce_max3A_117 = vector.multi_reduction <maximumf>, %reduce_max3A_115, %reduce_max3A_116 [1, 2] : vector<1x1x512xf32> to vector<1xf32>
    %reduce_max3A_118 = vector.shape_cast %reduce_max3A_117 : vector<1xf32> to vector<1x1x1xf32>
    %reduce_max3A_119 = vector.extract %reduce_max3A_118[0, 0, 0] : f32 from vector<1x1x1xf32>
    %slice3A_120 = vector.extract_strided_slice %iota3A {offsets = [0, 1536], sizes = [1, 512], strides = [1, 1]} : vector<1x2048xi32> to vector<1x512xi32>
    %eq3A_121 = vector.broadcast %reduce_max3A_119 : f32 to vector<1x512xf32>
    %eq3A_122 = arith.cmpf oeq, %slice3A_114, %eq3A_121 : vector<1x512xf32>
    %jit3A_123 = arith.constant 8192 : i32
    %broadcast_in_dim3A_124 = vector.broadcast %jit3A_123 : i32 to vector<1x512xi32>
    %select_n3A_125 = arith.select %eq3A_122, %slice3A_120, %broadcast_in_dim3A_124 : vector<1x512xi1>, vector<1x512xi32>
    %reduce_min3A_126 = vector.shape_cast %select_n3A_125 : vector<1x512xi32> to vector<1x1x512xi32>
    %reduce_min3A_127 = arith.constant dense<2147483647> : vector<1xi32>
    %reduce_min3A_128 = vector.multi_reduction <minsi>, %reduce_min3A_126, %reduce_min3A_127 [1, 2] : vector<1x1x512xi32> to vector<1xi32>
    %reduce_min3A_129 = vector.shape_cast %reduce_min3A_128 : vector<1xi32> to vector<1x1x1xi32>
    %reduce_min3A_130 = vector.extract %reduce_min3A_129[0, 0, 0] : i32 from vector<1x1x1xi32>
    %mul3A_131 = arith.constant 4 : i32
    %mul3A_132 = arith.muli %arg0, %mul3A_131 : i32
    %mul3A_133 = arith.constant 512 : i32
    %mul3A_134 = arith.muli %mul3A_132, %mul3A_133 : i32
    %add3A_135 = arith.addi %reduce_min3A_130, %mul3A_134 : i32
    %mul3A_136 = arith.constant 4 : i32
    %mul3A_137 = arith.muli %arg0, %mul3A_136 : i32
    %add3A_138 = arith.constant 3 : i32
    %add3A_139 = arith.addi %mul3A_137, %add3A_138 : i32
    %swap3A_140 = arith.constant 0 : index
    %swap3A_141 = arith.index_cast %add3A_139 : i32 to index
    %swap3A_142 = memref.load %arg6[%swap3A_140, %swap3A_141] : memref<1x16xi32, #tpu.memory_space<smem>>
    memref.store %add3A_135, %arg6[%swap3A_140, %swap3A_141] : memref<1x16xi32, #tpu.memory_space<smem>>
    return
  }
  func.func @transform_0(%arg0: i32) -> (i32, i32) {
    %c0_i32 = arith.constant 0 : i32
    %c0_i32_0 = arith.constant 0 : i32
    %c0_i32_1 = arith.constant 0 : i32
    return %c0_i32, %c0_i32_0 : i32, i32
  }
  func.func @transform_1(%arg0: i32) -> (i32, i32) {
    %c0_i32 = arith.constant 0 : i32
    %c0_i32_0 = arith.constant 0 : i32
    return %c0_i32, %arg0 : i32, i32
  }
  func.func @transform_2(%arg0: i32) -> (i32, i32) {
    %c0_i32 = arith.constant 0 : i32
    %c0_i32_0 = arith.constant 0 : i32
    return %c0_i32, %arg0 : i32, i32
  }
  func.func @transform_3(%arg0: i32) -> (i32, i32) {
    %c0_i32 = arith.constant 0 : i32
    %c0_i32_0 = arith.constant 0 : i32
    return %c0_i32, %arg0 : i32, i32
  }
  func.func @transform_4(%arg0: i32) -> i32 {
    %c0_i32 = arith.constant 0 : i32
    %c0_i32_0 = arith.constant 0 : i32
    return %c0_i32 : i32
  }
  func.func @transform_5(%arg0: i32) -> (i32, i32) {
    %c0_i32 = arith.constant 0 : i32
    %c0_i32_0 = arith.constant 0 : i32
    %c0_i32_1 = arith.constant 0 : i32
    return %c0_i32, %c0_i32_0 : i32, i32
  }
}

</mosaic_0001>

<sc_bundles>
// kernel: kernel.4.cloned.1.call-start
scs
__scs_entry_jumppad:
0x0: {  	(pc) =	sbr.rel $0x88, $3  }
0x1: {  	(tag) =	ssettag $0x0;
	lr =	simm.s32 $0x1  }
0x2: {  	[smem:$0x3F9B] =	sst lr;
	_ =	strace $0xD0000000  }
0x3: {  	_ = 	snop  }
0x4: {  	_ = 	snop  }
0x5: {  	_ = 	snop  }
0x6: {  	_ = 	snop  }
0x7: {  	_ = 	snop  }
__scs_overlays_trampoline_lowered:
0x8: {  	[smem:$0x3FAA] =	sst s0  }
0x9: {  	[smem:$0x3FAB] =	sst s1  }
0xa: {  	[smem:$0x3FAC] =	sst s2  }
0xb: {  	[smem:$0x3FAD] =	sst s3  }
0xc: {  	[smem:$0x3FAE] =	sst s4  }
0xd: {  	[smem:$0x3FAF] =	sst s5  }
0xe: {  	[smem:$0x3FB0] =	sst s6  }
0xf: {  	[smem:$0x3FB1] =	sst s7  }
0x10: {  	[smem:$0x3FB2] =	sst s8  }
0x11: {  	[smem:$0x3FB3] =	sst s9;
	s0 =	simm.s32 @!p0 $0x0  }
0x12: {  	s1 =	sld [smem:$0x3F99];
	s0 =	simm.s32 @p0 $0x1  }
0x13: {  	[smem:$0x3FB4] =	sst s0;
	s0 =	simm.s32 @!p1 $0x0  }
0x14: {  	s2 =	sld [smem:$0x3F98];
	s0 =	simm.s32 @p1 $0x1  }
0x15: {  	[smem:$0x3FB5] =	sst s0;
	s0 =	simm.s32 @!p2 $0x0  }
0x16: {  	s3 =	sld [smem:$0x3FDB];
	s0 =	simm.s32 @p2 $0x1  }
0x17: {  	s4 =	simm.s32 $0x1BF5;
	[smem:$0x3FB7] =	sst s0  }
0x18: {  	s0 =	sld [smem:$0x3F9A];
	_ =	swait.ge [sflag:s4], $0x0  }
0x19: {  	s7 =	sld [smem:$0x3F9B]  }
0x1a: {  	s8 =	sadd.s32 $0xFFFFE003, lr  }
0x1b: {  	s9 =	sadd.s32 $0xFFFFFEF7, lr;
	s5 =	simm.s32 $0xFFFFFFFF;
	p2 =	slt.u32 s8, $0xFFFFF086  }
0x1c: {  	p1 =	slt.u32 s9, $0xF7A;
	s5 =	simm.s32 @!p2 $0x0  }
0x1d: {  	s5 =	simm.s32 @p1 $0x1;
	p0 =	seq.s32 s7, s2  }
0x1e: {  	s7 =	smul.u32 @!p0 $0xF7A, s2;
	p2 =	seq.s32 @!p0 s5, $0x0  }
0x1f: {  	s9 =	smul.u32 $0xF7A, s1;
	s8 =	simm.s32 @!p0 $0x1BF5;
	p2 =	por !p2, p0  }
0x20: {  	[sflag:s8] =	ssyncset.s32 @!p0 $0xFFFFF086;
	s6 =	sadd.s32 @!p0 s3, s7;
	s7 =	simm.s32 @!p0 $0x108  }
0x21: {  	s3 =	sadd.s32 s3, s9;
	s6 =	sadd.s32 @!p0 $0x88, s6;
	s7 =	simm.s32 @p2 $0x1082  }
0x22: {  	[simem:s7], [sflag:s8] =	dma.local @!p0 [hbm:s6], $0xF7A  }
0x23: {  	s9 =	sor.u32 $0xD0000000, s2;
	s6 =	simm.s32 $0x108;
	_ =	swait.ge @!p0 [sflag:s8], $0x0  }
0x24: {  	s3 =	sadd.s32 $0x88, s3;
	s6 =	simm.s32 @!p1 $0x1082;
	[sflag:s4] =	ssyncset.s32 $0xFFFFF086  }
0x25: {  	[simem:s6], [sflag:s4] =	dma.local [hbm:s3], $0xF7A  }
0x26: {  	[smem:$0x3F9B] =	sst s1;
	(tag) =	ssettag s2;
	_ =	strace s9  }
0x27: {  	s1 =	sld [smem:$0x3FAB]  }
0x28: {  	s2 =	sld [smem:$0x3FAC]  }
0x29: {  	s4 =	sld [smem:$0x3FAE]  }
0x2a: {  	p0 =	seq.s32 s5, $0x0;
	s5 =	sld [smem:$0x3FAF]  }
0x2b: {  	s6 =	sld [smem:$0x3FB0]  }
0x2c: {  	s7 =	sld [smem:$0x3FB1]  }
0x2d: {  	s3 =	simm.s32 $0x108;
	s8 =	sld [smem:$0x3FB2]  }
0x2e: {  	s3 =	simm.s32 @!p0 $0x1082;
	s9 =	sld [smem:$0x3FB3]  }
0x2f: {  	lr =	sadd.s32 s0, s3;
	s0 =	sld [smem:$0x3FAA]  }
0x30: {  	s3 =	sld [smem:$0x3FAD]  }
0x31: {  	[smem:$0x3FB6] =	sst s10  }
0x32: {  	s10 =	sld [smem:$0x3FB4];
	_ =	sdelay $0x3  }
0x33: {  	p0 =	seq.s32 s10, $0x1;
	s10 =	sld [smem:$0x3FB6];
	_ =	sdelay $0x3  }
0x34: {  	[smem:$0x3FB6] =	sst s10  }
0x35: {  	s10 =	sld [smem:$0x3FB5];
	_ =	sdelay $0x3  }
0x36: {  	p1 =	seq.s32 s10, $0x1;
	s10 =	sld [smem:$0x3FB6];
	_ =	sdelay $0x3  }
0x37: {  	[smem:$0x3FB6] =	sst s10  }
0x38: {  	s10 =	sld [smem:$0x3FB7]  }
0x39: {  	_ = 	snop;
	(pc) =	sbr.ind lr, $3  }
0x3a: {  	_ = 	snop  }
0x3b: {  	_ = 	snop  }
0x3c: {  	p2 =	seq.s32 s10, $0x1;
	s10 =	sld [smem:$0x3FB6]  }
0x3d: {  	_ =	shalt  }
0x3e: {  	_ =	shalt  }
0x3f: {  	_ =	shalt  }
0x40: {  	_ =	shalt  }
0x41: {  	_ =	shalt  }
0x42: {  	_ =	shalt  }
0x43: {  	_ =	shalt  }
0x44: {  	_ =	shalt  }
0x45: {  	_ =	shalt  }
0x46: {  	_ =	shalt  }
0x47: {  	_ =	shalt  }
0x48: {  	_ =	shalt  }
0x49: {  	_ =	shalt  }
0x4a: {  	_ =	shalt  }
0x4b: {  	_ =	shalt  }
0x4c: {  	_ =	shalt  }
0x4d: {  	_ =	shalt  }
0x4e: {  	_ =	shalt  }
0x4f: {  	_ =	shalt  }
0x50: {  	_ =	shalt  }
0x51: {  	_ =	shalt  }
0x52: {  	_ =	shalt  }
0x53: {  	_ =	shalt  }
0x54: {  	_ =	shalt  }
0x55: {  	_ =	shalt  }
0x56: {  	_ =	shalt  }
0x57: {  	_ =	shalt  }
0x58: {  	_ =	shalt  }
0x59: {  	_ =	shalt  }
0x5a: {  	_ =	shalt  }
0x5b: {  	_ =	shalt  }
0x5c: {  	_ =	shalt  }
0x5d: {  	_ =	shalt  }
0x5e: {  	_ =	shalt  }
0x5f: {  	_ =	shalt  }
0x60: {  	_ =	shalt  }
0x61: {  	_ =	shalt  }
0x62: {  	_ =	shalt  }
0x63: {  	_ =	shalt  }
0x64: {  	_ =	shalt  }
0x65: {  	_ =	shalt  }
0x66: {  	_ =	shalt  }
0x67: {  	_ =	shalt  }
0x68: {  	_ =	shalt  }
0x69: {  	_ =	shalt  }
0x6a: {  	_ =	shalt  }
0x6b: {  	_ =	shalt  }
0x6c: {  	_ =	shalt  }
0x6d: {  	_ =	shalt  }
0x6e: {  	_ =	shalt  }
0x6f: {  	_ =	shalt  }
0x70: {  	_ =	shalt  }
0x71: {  	_ =	shalt  }
0x72: {  	_ =	shalt  }
0x73: {  	_ =	shalt  }
0x74: {  	_ =	shalt  }
0x75: {  	_ =	shalt  }
0x76: {  	_ =	shalt  }
0x77: {  	_ =	shalt  }
0x78: {  	_ =	shalt  }
0x79: {  	_ =	shalt  }
0x7a: {  	_ =	shalt  }
0x7b: {  	_ =	shalt  }
0x7c: {  	_ =	shalt  }
0x7d: {  	_ =	shalt  }
0x7e: {  	_ =	shalt  }
0x7f: {  	_ =	shalt  }
0x80: {  	_ =	shalt  }
0x81: {  	_ =	shalt  }
0x82: {  	_ =	shalt  }
0x83: {  	_ =	shalt  }
0x84: {  	_ =	shalt  }
0x85: {  	_ =	shalt  }
0x86: {  	_ =	shalt  }
0x87: {  	_ =	shalt  }
.Lfunc_end0:
.L_simem_size_0:
called_computation_lowered:
.L_overlay_start_0:
0x88: {  	s0 =	sld [smem:$0x3FD9]  }
0x89: {  	s1 =	sld [smem:$0x3FFE];
	_ =	sdelay $0x3  }
0x8a: {  	s0 =	sadd.s32 s1, s0  }
0x8b: {  	[smem:$0x3FC2] =	sst s0  }
0x8c: {  	_ = 	snop  }
0x8d: {  	s0 =	sld [smem:$0x3FC5]  }
0x8e: {  	s16 =	sld [smem:$0x3FC4]  }
0x8f: {  	s2 =	sld [smem:$0x3FD0];
	(tm) =	ssettm $0x1  }
0x90: {  	s3 =	sld [smem:$0x3FFB];
	_ =	sdelay $0x3  }
0x91: {  	_ =	strace s3  }
0x92: {  	s3 =	sld [smem:$0x3FFC];
	_ =	sdelay $0x3  }
0x93: {  	_ =	strace s3  }
0x94: {  	s3 =	sld [smem:$0x3FFD];
	_ =	sdelay $0x3  }
0x95: {  	_ =	strace s3  }
0x96: {  	_ =	strace $0x8FFFFFFF  }
0x97: {  	s17 =	sld [smem:$0x3FDB];
	_ =	sdelay $0x1  }
0x98: {  	s4 =	simm.s32 $_scs_section_size  }
0x99: {  	s5 =	simm.s32 $_size__tile_overlayer_lowered;
	s6 =	simm.s32 $_tile_overlayer_lowered  }
0x9a: {  	s20 =	simm.s32 $0x1BFF;
	s19 =	sshll.u32 s6, $0x1;
	s3 =	sadd.s32 s4, s17  }
0x9b: {  	s7 =	simm.s32 $0x0;
	s18 =	sshll.u32 s5, $0x1;
	s5 =	sadd.s32 s19, s3  }
0x9c: {  	[timem:s7], [sflag:s20] =	dma.local [hbm:s5], s18  }
0x9d: {  	_ =	swait.ge [sflag:s20], s18  }
0x9e: {  	s4 =	ssub.s32 $0x0, s18;
	[sflag:s20] =	ssyncset.done $0x0  }
0x9f: {  	[sflag:s20] =	ssyncadd.s32 s4;
	_ =	sdelay $0x1  }
0xa0: {  	s21 =	simm.s32 $0x1B8B  }
0xa1: {  	_ =	swait.ge [sflag:s21], $0x1  }
0xa2: {  	[sflag:s21] =	ssyncset.done $0x0  }
0xa3: {  	s23 =	simm.s32 $0x1B8E;
	s22 =	sld [smem:$0x3FFE];
	[sflag:s21] =	ssyncadd.s32 $0xFFFFFFFF  }
0xa4: {  	s24 =	simm.s32 $execute0_lowered;
	[smem:$0x3FD2] =	sst s23  }
0xa5: {  	s5 =	sshll.u32 s24, $0x1;
	_ =	strace $0x80000046;
	[dreg:$0x1] =	wrdreg $0xFFFFFFFF  }
0xa6: {  	s25 =	simm.s32 $_size_execute0_lowered;
	s3 =	sadd.s32 s3, s5;
	[dreg:$0x0] =	wrdreg $0x0  }
0xa7: {  	s5 =	sshll.u32 s25, $0x1;
	[dreg:$0x2] =	wrdreg s3  }
0xa8: {  	[dreg:$0x3] =	wrdreg s5  }
0xa9: {  	[dreg:$0x4] =	wrdreg $0xC0  }
0xaa: {  	_ =	task [dreg:s7], $0x5FFFF  }
0xab: {  	[dreg:$0x1] =	wrdreg $0xFFFFFFFF  }
0xac: {  	[dreg:$0x0] =	wrdreg $0x60  }
0xad: {  	[dreg:$0x2] =	wrdreg s22  }
0xae: {  	[dreg:$0x3] =	wrdreg s0  }
0xaf: {  	[dreg:$0x4] =	wrdreg s16  }
0xb0: {  	[dreg:$0x5] =	wrdreg s2  }
0xb1: {  	[dreg:$0x6] =	wrdreg $0x9  }
0xb2: {  	_ =	task.clear_ibuf [dreg:s7], $0x7FFFF;
	_ =	strace $0x90000046  }
0xb3: {  	s26 =	simm.s32 $0x9;
	_ =	strace $0x80000048  }
0xb4: {  	_ =	swait.ge [sflag:s26], $0x1  }
0xb5: {  	[sflag:s26] =	ssyncadd.s32 $0xFFFFFFFF  }
0xb6: {  	_ =	strace $0x90000048  }
0xb7: {  	_ =	sfence  }
0xb8: {  	s28 =	sld [smem:$0x0];
	_ =	sdelay $0x1  }
0xb9: {  	s29 =	srdreg.scid  }
0xba: {  	s30 =	sshll.u32 s29, $0xD;
	s31 =	sshrl.u32 s29, $0x2  }
0xbb: {  	s1 =	sand.u32 $0x1, s29;
	s2 =	sand.u32 $0x4000, s30;
	s0 =	sadd.s32 s31, s28  }
0xbc: {  	s1 =	sor.u32 s2, s1;
	s0 =	sshll.u32 s0, $0x11  }
0xbd: {  	s0 =	sor.u32 s0, s1  }
0xbe: {  	s0 =	sadd.s32 $0x8F2B, s0  }
0xbf: {  	[sflag:s0] =	ssyncadd.remote.s32 $0x1  }
0xc0: {  	_ =	sfence.sel $0xFFFF  }
0xc1: {  	[dreg:$0x0] =	wrdreg $0xFFFFFFFF;
	(pc) =	sbr.abs _section_cstart, $3  }
0xc2: {  	[dreg:$0x1] =	wrdreg $0xFFFFFFFF  }
0xc3: {  	_ =	task.clear_ibuf [dreg:s7], $0x2FFFF;
	_ =	strace $0x9FFFFFFF  }
0xc4: {  	(tm) =	ssettm $0x7FFFFFFF  }
0xc5: {  	_ =	shalt  }
tec
execute0_lowered:
.L_overlay_start_1:
0x0: {  	(tag) =	ssettag $0x1  }
0x1: {  	s5 =	stileid.u32  }
0x2: {  	p0 =	sne.s32 s5, $0x0  }
.Ltmp0:
0x3: {  	s4 =	rddreg [dreg:$0x0];
	(pc) =	sbr.rel @p0 .LBB2_4-.Ltmp0, $4  }
0x4: {  	s2 =	rddreg [dreg:$0x1]  }
0x5: {  	s3 =	rddreg [dreg:$0x2]  }
0x6: {  	s1 =	rddreg [dreg:$0x3]  }
0x7: {  	s0 =	rddreg [dreg:$0x4];
	_ =	strace $0x80000047  }
0x8: {  	s4 =	sadd.s32 $0x1000, s4;
	s5 =	simm.s32 $0x0;
	s22 =	simm.s32 $0x2  }
0x9: {  	[tilespmem:s5], [sflag:$0x2] =	stream.linear.gather [hbm4b:s4+s5], $0x80, $0x38;
	[tilespmem:$0x1180] =	vst v63  }
0xa: {  	_ =	swait.ge [sflag:s22], $0x80  }
0xb: {  	[sflag:s22] =	ssyncset.done $0x0  }
0xc: {  	[sflag:s22] =	ssyncadd.s32 $0xFFFFFF80  }
0xd: {  	v0 =	vld [tilespmem:$0x0];
	_ =	sdelay $0x4  }
0xe: {  	v1 =	vshll.u32 v0, $0x1  }
0xf: {  	v2 =	vlaneseq.u32;
	v0 =	vand.u32 $0x7, v0;
	v1 =	vand.u32 $0xFFFFFFF0, v1  }
0x10: {  	v46 =	vand.u32 $0x7, v2;
	v3 =	vshrl.u32 v2, $0x3;
	v0 =	vor.u32 v0, v1  }
0x11: {  	v3 =	vmul.u32 $0x8, v3;
	v1 =	vperm.xlane v0, v46  }
0x12: {  	v2 =	vor.u32 $0x8, v2  }
0x13: {  	v0 =	vperm.xlane v0, v2;
	v1 =	vadd.s32 v3, v1;
	_ =	sdelay $0x1  }
0x14: {  	v0 =	vadd.s32 v3, v0;
	_ =	sdelay $0x1  }
0x15: {  	vm0 =	vmmov $0xffff;
	s6 =	simm.s32 $0x80  }
0x16: {  	[tilespmem:s6], [sflag:$0x1] =	stream.indirect_vreg.gather [hbm4b:s2+s5], $0x80, v1, vm0, $0xb8;
	[tilespmem:$0x1180] =	vst v63  }
0x17: {  	s23 =	simm.s32 $0x880  }
0x18: {  	[tilespmem:s23], [sflag:$0x1] =	stream.indirect_vreg.gather [hbm4b:s2+s5], $0x80, v0, vm0, $0xb8;
	[tilespmem:$0x1180] =	vst v63  }
0x19: {  	s2 =	simm.s32 $0x1080  }
0x1a: {  	[tilespmem:s2], [sflag:$0x2] =	stream.linear.gather [hbm4b:s3+s5], $0x100, $0x38;
	[tilespmem:$0x1180] =	vst v63  }
0x1b: {  	_ =	swait.ge [sflag:s22], $0x100  }
0x1c: {  	[sflag:s22] =	ssyncset.done $0x0  }
0x1d: {  	s24 =	simm.s32 $0x1;
	[sflag:s22] =	ssyncadd.s32 $0xFFFFFF00  }
0x1e: {  	_ =	swait.ge [sflag:s24], $0x1000  }
0x1f: {  	s25 =	sand.u32 $0x70, s5;
	s26 =	sand.u32 $0x400, s5;
	[sflag:s24] =	ssyncset.done $0x0  }
0x20: {  	s28 =	sor.u32 s25, s26;
	[sflag:s24] =	ssyncadd.s32 $0xFFFFF000  }
0x21: {  	v47 =	vld [tilespmem:s28+$0x80]  }
0x22: {  	v48 =	vld [tilespmem:s2+$0x0];
	_ =	sdelay $0x1  }
0x23: {  	v49 =	vld [tilespmem:s28+$0x100];
	_ =	sdelay $0x1  }
0x24: {  	v50 =	vld [tilespmem:s28+$0x180]  }
0x25: {  	v0 =	vadd.f32 v47, v48  }
0x26: {  	v51 =	vld [tilespmem:s28+$0x200]  }
0x27: {  	v0 =	vadd.f32 v49, v0  }
0x28: {  	v52 =	vld [tilespmem:s28+$0x280]  }
0x29: {  	v0 =	vadd.f32 v50, v0  }
0x2a: {  	v53 =	vld [tilespmem:s28+$0x300]  }
0x2b: {  	v0 =	vadd.f32 v51, v0  }
0x2c: {  	s29 =	sor.u32 s5, s5;
	v54 =	vld [tilespmem:s28+$0x380]  }
0x2d: {  	s4 =	sor.u32 $0x380, s29;
	v0 =	vadd.f32 v52, v0  }
0x2e: {  	v55 =	vld [tilespmem:s4+$0x80]  }
0x2f: {  	v0 =	vadd.f32 v53, v0  }
0x30: {  	v56 =	vld [tilespmem:s28+$0x880]  }
0x31: {  	v0 =	vadd.f32 v54, v0  }
0x32: {  	v57 =	vld [tilespmem:s28+$0x900]  }
0x33: {  	v0 =	vadd.f32 v55, v0  }
0x34: {  	v58 =	vld [tilespmem:s28+$0x980]  }
0x35: {  	v0 =	vadd.f32 v56, v0  }
0x36: {  	v59 =	vld [tilespmem:s28+$0xA00]  }
0x37: {  	v0 =	vadd.f32 v57, v0  }
0x38: {  	v60 =	vld [tilespmem:s28+$0xA80]  }
0x39: {  	v0 =	vadd.f32 v58, v0  }
0x3a: {  	v61 =	vld [tilespmem:s28+$0xB00]  }
0x3b: {  	v0 =	vadd.f32 v59, v0  }
0x3c: {  	v62 =	vld [tilespmem:s28+$0xB80]  }
0x3d: {  	v0 =	vadd.f32 v60, v0  }
0x3e: {  	v63 =	vld [tilespmem:s28+$0xC00]  }
0x3f: {  	v0 =	vadd.f32 v61, v0;
	_ =	sdelay $0x1  }
0x40: {  	v0 =	vadd.f32 v62, v0;
	_ =	sdelay $0x1  }
0x41: {  	s5 =	simm.s32 $0x80;
	s4 =	simm.s32 $0x10;
	v0 =	vadd.f32 v63, v0  }
0x42: {  	s31 =	sand.u32 $0x400, s5;
	s30 =	sand.u32 $0x70, s4  }
0x43: {  	s6 =	simm.s32 $0x20;
	s3 =	sor.u32 s30, s31;
	[tilespmem:s2+$0x0] =	vst v0  }
.LBB2_2:
0x44: {  	p1 =	sne.s32 s6, $0xF0;
	v0 =	vld [tilespmem:s3+$0x80];
	s2 =	sadd.s32 $0x10, s2  }
0x45: {  	v1 =	vld [tilespmem:s2+$0x0];
	_ =	sdelay $0x1  }
0x46: {  	v2 =	vld [tilespmem:s3+$0x100];
	_ =	sdelay $0x1  }
0x47: {  	v3 =	vld [tilespmem:s3+$0x180]  }
0x48: {  	v0 =	vadd.f32 v0, v1  }
0x49: {  	v1 =	vld [tilespmem:s3+$0x200]  }
0x4a: {  	v0 =	vadd.f32 v2, v0  }
0x4b: {  	v2 =	vld [tilespmem:s3+$0x280]  }
0x4c: {  	v0 =	vadd.f32 v3, v0  }
0x4d: {  	v3 =	vld [tilespmem:s3+$0x300]  }
0x4e: {  	v0 =	vadd.f32 v1, v0  }
0x4f: {  	s7 =	sor.u32 s5, s4;
	s4 =	smov.u32 s6;
	v1 =	vld [tilespmem:s3+$0x380]  }
0x50: {  	s7 =	sor.u32 $0x380, s7;
	v0 =	vadd.f32 v2, v0  }
0x51: {  	v2 =	vld [tilespmem:s7+$0x80]  }
0x52: {  	v0 =	vadd.f32 v3, v0  }
0x53: {  	v3 =	vld [tilespmem:s3+$0x880]  }
0x54: {  	v0 =	vadd.f32 v1, v0  }
0x55: {  	v1 =	vld [tilespmem:s3+$0x900]  }
0x56: {  	v0 =	vadd.f32 v2, v0  }
0x57: {  	v2 =	vld [tilespmem:s3+$0x980]  }
0x58: {  	v0 =	vadd.f32 v3, v0  }
0x59: {  	v3 =	vld [tilespmem:s3+$0xA00]  }
0x5a: {  	v0 =	vadd.f32 v1, v0  }
0x5b: {  	v1 =	vld [tilespmem:s3+$0xA80]  }
0x5c: {  	v0 =	vadd.f32 v2, v0  }
0x5d: {  	v2 =	vld [tilespmem:s3+$0xB00]  }
0x5e: {  	v0 =	vadd.f32 v3, v0  }
0x5f: {  	v3 =	vld [tilespmem:s3+$0xB80]  }
0x60: {  	v0 =	vadd.f32 v1, v0  }
0x61: {  	v1 =	vld [tilespmem:s3+$0xC00]  }
0x62: {  	v0 =	vadd.f32 v2, v0;
	_ =	sdelay $0x1  }
.Ltmp1:
0x63: {  	v0 =	vadd.f32 v3, v0;
	(pc) =	sbr.rel @p1 .LBB2_2-.Ltmp1, $4  }
0x64: {  	_ = 	snop  }
0x65: {  	s5 =	sadd.s32 $0x80, s5;
	v0 =	vadd.f32 v1, v0  }
0x66: {  	s7 =	sand.u32 $0x400, s5;
	s3 =	sand.u32 $0x70, s6  }
0x67: {  	s6 =	sadd.s32 $0x10, s6;
	s3 =	sor.u32 s3, s7;
	[tilespmem:s2+$0x0] =	vst v0  }
0x68: {  	v0 =	vld [tilespmem:s3+$0x80];
	s2 =	sadd.s32 $0x10, s2  }
0x69: {  	v1 =	vld [tilespmem:s2+$0x0];
	_ =	sdelay $0x1  }
0x6a: {  	v2 =	vld [tilespmem:s3+$0x100];
	_ =	sdelay $0x1  }
0x6b: {  	v3 =	vld [tilespmem:s3+$0x180]  }
0x6c: {  	v0 =	vadd.f32 v0, v1  }
0x6d: {  	v51 =	vld [tilespmem:s3+$0x200]  }
0x6e: {  	v0 =	vadd.f32 v2, v0  }
0x6f: {  	v52 =	vld [tilespmem:s3+$0x280]  }
0x70: {  	v0 =	vadd.f32 v3, v0  }
0x71: {  	v53 =	vld [tilespmem:s3+$0x300]  }
0x72: {  	v0 =	vadd.f32 v51, v0  }
0x73: {  	v54 =	vld [tilespmem:s3+$0x380];
	s4 =	sor.u32 s5, s4  }
0x74: {  	s4 =	sor.u32 $0x380, s4;
	v0 =	vadd.f32 v52, v0  }
0x75: {  	v55 =	vld [tilespmem:s4+$0x80]  }
0x76: {  	v0 =	vadd.f32 v53, v0  }
0x77: {  	v56 =	vld [tilespmem:s3+$0x880]  }
0x78: {  	v0 =	vadd.f32 v54, v0  }
0x79: {  	v57 =	vld [tilespmem:s3+$0x900]  }
0x7a: {  	v0 =	vadd.f32 v55, v0  }
0x7b: {  	v58 =	vld [tilespmem:s3+$0x980]  }
0x7c: {  	v0 =	vadd.f32 v56, v0  }
0x7d: {  	v59 =	vld [tilespmem:s3+$0xA00]  }
0x7e: {  	v0 =	vadd.f32 v57, v0  }
0x7f: {  	v60 =	vld [tilespmem:s3+$0xA80]  }
0x80: {  	v0 =	vadd.f32 v58, v0  }
0x81: {  	v61 =	vld [tilespmem:s3+$0xB00]  }
0x82: {  	v0 =	vadd.f32 v59, v0  }
0x83: {  	v62 =	vld [tilespmem:s3+$0xB80]  }
0x84: {  	v0 =	vadd.f32 v60, v0  }
0x85: {  	v63 =	vld [tilespmem:s3+$0xC00]  }
0x86: {  	v0 =	vadd.f32 v61, v0;
	_ =	sdelay $0x1  }
0x87: {  	v0 =	vadd.f32 v62, v0;
	_ =	sdelay $0x1  }
0x88: {  	v0 =	vadd.f32 v63, v0;
	_ =	sdelay $0x1  }
0x89: {  	s29 =	simm.s32 $0x0;
	s30 =	simm.s32 $0x1080;
	s31 =	simm.s32 $0x2;
	[tilespmem:s2+$0x0] =	vst v0  }
0x8a: {  	[hbm4b:s1+s29] =	stream.linear.scatter [tilespmem:s30], [sflag:$0x2], $0x100, $0x38;
	[tilespmem:$0x1180] =	vst v63  }
0x8b: {  	_ =	swait.ge [sflag:s31], $0x100  }
0x8c: {  	[sflag:s31] =	ssyncset.done $0x0  }
0x8d: {  	[sflag:s31] =	ssyncadd.s32 $0xFFFFFF00  }
.LBB2_4:
0x8e: {  	_ =	sfence.sel $0x180000  }
0x8f: {  	[bflag:$0x0] =	sbarrier.arrive $0xFFFF  }
0x90: {  	_ =	strace $0x90000047  }
0x91: {  	s0 =	sadd.s32 @!p0 $0x100000, s0;
	[bflag:$0x2] =	sbarrier.arrive $0xFFFF  }
0x92: {  	[sflag:s0] =	ssyncadd.tile.s32 @!p0 $0x1;
	_ =	shalt  }
.Lfunc_end2:
_tile_overlayer_lowered:
.L_overlay_start_2:
0x93: {  	(tag) =	ssettag $0x2  }
0x94: {  	s0 =	rddreg [dreg:$0x0];
	s2 =	stileid.u32  }
0x95: {  	s1 =	rddreg [dreg:$0x1];
	p0 =	sne.s32 s2, $0x0  }
0x96: {  	s3 =	rddreg [dreg:$0x2];
	[bflag:$0x3] =	sbarrier.arrive $0xFFFF;
	s2 =	simm.s32 @!p0 $0x1C02  }
0x97: {  	[timem:s3], [sflag:s2] =	dma.local @!p0 [hbm:s0], s1  }
0x98: {  	s0 =	simm.s32 @!p0 $0x2  }
0x99: {  	_ =	swait.ge @!p0 [sflag:s0], s1  }
0x9a: {  	s1 =	ssub.s32 @!p0 $0x0, s1;
	[sflag:s0] =	ssyncset.done @!p0 $0x0  }
0x9b: {  	[sflag:s0] =	ssyncadd.s32 @!p0 s1  }
0x9c: {  	[bflag:$0x3] =	sbarrier.arrive $0xFFFF  }
0x9d: {  	_ =	shalt  }

</sc_bundles>
